<compile_context>
chip_gen: v7x
topology: tpu7x:2x2x1
jax: 0.10.2.dev20260603
libtpu: 0.0.44.dev20260713+nightly
codegen_flags: <defaults>
</compile_context>

<pallas_src>
import functools

import jax
import jax.numpy as jnp
from jax import lax
from jax.experimental import pallas as pl
from jax.experimental.pallas import tpu as pltpu
from jax.experimental.pallas import tpu_sc as plsc

_NC = 2
_NS = 16
_TILE_ROWS = 16


def kernel(x, pos_table):
    batch = x.shape[0]
    seq_len = x.shape[1]
    emb = pos_table.shape[1]
    flat = seq_len * emb
    tab = pos_table[:seq_len].reshape(flat)

    nw = _NC * _NS
    rows_per_w = batch // nw
    ncopies = rows_per_w // _TILE_ROWS

    mesh = plsc.VectorSubcoreMesh(
        core_axis_name="c", subcore_axis_name="s", num_cores=_NC
    )

    @functools.partial(
        pl.kernel,
        out_type=jax.ShapeDtypeStruct((batch, flat), pos_table.dtype),
        mesh=mesh,
        scratch_types=[
            pltpu.VMEM((_TILE_ROWS, flat), pos_table.dtype),
            pltpu.SemaphoreType.DMA,
        ],
        compiler_params=pltpu.CompilerParams(
            disable_bounds_checks=True,
            disable_semaphore_checks=True,
            skip_device_barrier=True,
        ),
    )
    def sc_broadcast(tab_hbm, out_hbm, tile_v, sem):
        wid = lax.axis_index("s") * _NC + lax.axis_index("c")
        base = wid * rows_per_w
        pltpu.async_copy(tab_hbm, tile_v.at[0], sem).wait()

        def _rep(i, _):
            chunk = tile_v[0, pl.ds(i * 16, 16)]
            for r in range(1, _TILE_ROWS):
                tile_v[r, pl.ds(i * 16, 16)] = chunk
            return _

        lax.fori_loop(0, flat // 16, _rep, None)
        for j in range(ncopies):
            pltpu.async_copy(
                tile_v,
                out_hbm.at[pl.ds(base + j * _TILE_ROWS, _TILE_ROWS), :],
                sem,
            )
        for j in range(ncopies):
            pltpu.make_async_copy(
                tile_v,
                out_hbm.at[pl.ds(base + j * _TILE_ROWS, _TILE_ROWS), :],
                sem,
            ).wait()

    out = sc_broadcast(tab)
    return out.reshape(batch, seq_len, emb)

# --- scband reference (transcript-rebuilt; emitter-appended) ---
"""Pipeline reference for scband-position-wise-embedding-20667382628619 (READ-ONLY COPY).

The authoritative reference and input builder live on the scoring server;
editing this copy changes nothing except your own understanding.
"""

import jax, jax.numpy as jnp
import numpy as np

VOCAB_SIZE = 100000
EMBEDDING_DIM = 32
MAX_LEN = 512
BATCH = 4096
SEQ_LEN = 200

def setup_inputs(seed: int = 0) -> dict:
    key = jax.random.key(seed)
    k1, k2 = jax.random.split(key)
    x = jax.random.randint(k1, (BATCH, SEQ_LEN), 0, VOCAB_SIZE, dtype=jnp.int64) if jax.config.jax_enable_x64 else jax.random.randint(k1, (BATCH, SEQ_LEN), 0, VOCAB_SIZE, dtype=jnp.int32)
    pos_table = jax.random.normal(k2, (MAX_LEN, EMBEDDING_DIM), dtype=jnp.float32)
    return {"x": x, "pos_table": pos_table}

def reference(x, pos_table):
    batch_size = x.shape[0]
    inputs_len = x.shape[1]
    # pos = arange(L) repeated across batch, then embedding gather
    pos = jnp.broadcast_to(jnp.arange(inputs_len)[None, :], (batch_size, inputs_len))
    pos_embedding = jnp.take(pos_table, pos, axis=0)
    return pos_embedding

if __name__ == "__main__":
    import jax
    _d = setup_inputs()
    print(jax.jit(kernel)(*tuple(_d.values())))

</pallas_src>

<mosaic_0001>
#map = affine_map<(d0, d1) -> (0)>
#map1 = affine_map<(d0, d1) -> (0, 0)>
module attributes {stable_mosaic.version = 14 : i64} {
  func.func @sc_broadcast(%arg0: i32, %arg1: i32, %arg2: memref<6400xf32, #tpu.memory_space<hbm>>, %arg3: memref<4096x6400xf32, #tpu.memory_space<hbm>>, %arg4: memref<16x6400xf32, #tpu.memory_space<vmem>>, %arg5: memref<!tpu.dma_semaphore, #tpu.memory_space<semaphore_mem>>) attributes {dimension_semantics = [#tpu.dimension_semantics<core_parallel>, #tpu.dimension_semantics<subcore_parallel>], iteration_bounds = array<i64: 2, 16>, scalar_prefetch = 0 : i64, scratch_operands = 2 : i64, tpu.core_type = #tpu.core_type<sc_vector_subcore>, window_params = [{transform_indices = #map}, {transform_indices = #map1}]} {
    %mul3A = arith.constant 2 : i32
    %mul3A_0 = arith.muli %arg1, %mul3A : i32
    %add3A = arith.addi %mul3A_0, %arg0 : i32
    %mul3A_1 = arith.constant 128 : i32
    %mul3A_2 = arith.muli %add3A, %mul3A_1 : i32
    %dma_start3A = arith.constant 0 : i32
    %dma_start3A_3 = arith.constant 0 : i32
    %dma_start3A_4 = tpu.memref_slice %arg4[%dma_start3A, %dma_start3A_3] : memref<16x6400xf32, #tpu.memory_space<vmem>> -> memref<1x6400xf32, #tpu.memory_space<vmem>>
    %dma_start3A_5 = tpu.memref_squeeze %dma_start3A_4 : memref<1x6400xf32, #tpu.memory_space<vmem>> -> memref<6400xf32, #tpu.memory_space<vmem>>
    %dma_start3A_6 = arith.constant 0 : i32
    %dma_start3A_7 = tpu.memref_slice %arg4[%dma_start3A, %dma_start3A_6] : memref<16x6400xf32, #tpu.memory_space<vmem>> -> memref<1x6400xf32, #tpu.memory_space<vmem>>
    %dma_start3A_8 = tpu.memref_squeeze %dma_start3A_7 : memref<1x6400xf32, #tpu.memory_space<vmem>> -> memref<6400xf32, #tpu.memory_space<vmem>>
    tpu.enqueue_dma source(%arg2 : memref<6400xf32, #tpu.memory_space<hbm>>) target(%dma_start3A_8 : memref<6400xf32, #tpu.memory_space<vmem>>) target_semaphore(%arg5 : memref<!tpu.dma_semaphore, #tpu.memory_space<semaphore_mem>>)
    %dma_wait3A = arith.constant 0 : i32
    %dma_wait3A_9 = arith.constant 0 : i32
    %dma_wait3A_10 = tpu.memref_slice %arg4[%dma_wait3A, %dma_wait3A_9] : memref<16x6400xf32, #tpu.memory_space<vmem>> -> memref<1x6400xf32, #tpu.memory_space<vmem>>
    %dma_wait3A_11 = tpu.memref_squeeze %dma_wait3A_10 : memref<1x6400xf32, #tpu.memory_space<vmem>> -> memref<6400xf32, #tpu.memory_space<vmem>>
    %dma_wait3A_12 = arith.constant 0 : i32
    %dma_wait3A_13 = tpu.memref_slice %arg4[%dma_wait3A, %dma_wait3A_12] : memref<16x6400xf32, #tpu.memory_space<vmem>> -> memref<1x6400xf32, #tpu.memory_space<vmem>>
    %dma_wait3A_14 = tpu.memref_squeeze %dma_wait3A_13 : memref<1x6400xf32, #tpu.memory_space<vmem>> -> memref<6400xf32, #tpu.memory_space<vmem>>
    tpu.wait_dma2 semaphore(%arg5 : memref<!tpu.dma_semaphore, #tpu.memory_space<semaphore_mem>>) src(%arg2 : memref<6400xf32, #tpu.memory_space<hbm>>) dst(%dma_wait3A_14 : memref<6400xf32, #tpu.memory_space<vmem>>)
    %scan3A = arith.constant 0 : i32
    %scan3A_15 = arith.constant 400 : i32
    %scan3A_16 = arith.addi %scan3A, %scan3A_15 : i32
    %scan3A_17 = arith.constant 1 : i32
    scf.for %scan3A_115 = %scan3A to %scan3A_16 step %scan3A_17  : i32 {
      %mul3A_116 = arith.constant 16 : i32
      %mul3A_117 = arith.muli %scan3A_115, %mul3A_116 : i32
      %get3A = arith.constant 0 : i32
      %get3A_118 = arith.index_cast %get3A : i32 to index
      %get3A_119 = arith.index_cast %mul3A_117 : i32 to index
      %get3A_120 = tpu.vector_load %arg4[%get3A_118, %get3A_119] {strides = array<i32>} : memref<16x6400xf32, #tpu.memory_space<vmem>>, vector<1x16xf32>,
      %get3A_121 = vector.shape_cast %get3A_120 : vector<1x16xf32> to vector<16xf32>
      %mul3A_122 = arith.constant 16 : i32
      %mul3A_123 = arith.muli %scan3A_115, %mul3A_122 : i32
      %swap3A = arith.constant 1 : i32
      %swap3A_124 = arith.index_cast %swap3A : i32 to index
      %swap3A_125 = arith.index_cast %mul3A_123 : i32 to index
      %swap3A_126 = tpu.vector_load %arg4[%swap3A_124, %swap3A_125] {strides = array<i32>} : memref<16x6400xf32, #tpu.memory_space<vmem>>, vector<1x16xf32>,
      %swap3A_127 = vector.shape_cast %swap3A_126 : vector<1x16xf32> to vector<16xf32>
      %swap3A_128 = vector.shape_cast %get3A_121 : vector<16xf32> to vector<1x16xf32>
      tpu.vector_store %arg4[%swap3A_124, %swap3A_125], %swap3A_128 {strides = array<i32>} : memref<16x6400xf32, #tpu.memory_space<vmem>>, vector<1x16xf32>,
      %mul3A_129 = arith.constant 16 : i32
      %mul3A_130 = arith.muli %scan3A_115, %mul3A_129 : i32
      %swap3A_131 = arith.constant 2 : i32
      %swap3A_132 = arith.index_cast %swap3A_131 : i32 to index
      %swap3A_133 = arith.index_cast %mul3A_130 : i32 to index
      %swap3A_134 = tpu.vector_load %arg4[%swap3A_132, %swap3A_133] {strides = array<i32>} : memref<16x6400xf32, #tpu.memory_space<vmem>>, vector<1x16xf32>,
      %swap3A_135 = vector.shape_cast %swap3A_134 : vector<1x16xf32> to vector<16xf32>
      %swap3A_136 = vector.shape_cast %get3A_121 : vector<16xf32> to vector<1x16xf32>
      tpu.vector_store %arg4[%swap3A_132, %swap3A_133], %swap3A_136 {strides = array<i32>} : memref<16x6400xf32, #tpu.memory_space<vmem>>, vector<1x16xf32>,
      %mul3A_137 = arith.constant 16 : i32
      %mul3A_138 = arith.muli %scan3A_115, %mul3A_137 : i32
      %swap3A_139 = arith.constant 3 : i32
      %swap3A_140 = arith.index_cast %swap3A_139 : i32 to index
      %swap3A_141 = arith.index_cast %mul3A_138 : i32 to index
      %swap3A_142 = tpu.vector_load %arg4[%swap3A_140, %swap3A_141] {strides = array<i32>} : memref<16x6400xf32, #tpu.memory_space<vmem>>, vector<1x16xf32>,
      %swap3A_143 = vector.shape_cast %swap3A_142 : vector<1x16xf32> to vector<16xf32>
      %swap3A_144 = vector.shape_cast %get3A_121 : vector<16xf32> to vector<1x16xf32>
      tpu.vector_store %arg4[%swap3A_140, %swap3A_141], %swap3A_144 {strides = array<i32>} : memref<16x6400xf32, #tpu.memory_space<vmem>>, vector<1x16xf32>,
      %mul3A_145 = arith.constant 16 : i32
      %mul3A_146 = arith.muli %scan3A_115, %mul3A_145 : i32
      %swap3A_147 = arith.constant 4 : i32
      %swap3A_148 = arith.index_cast %swap3A_147 : i32 to index
      %swap3A_149 = arith.index_cast %mul3A_146 : i32 to index
      %swap3A_150 = tpu.vector_load %arg4[%swap3A_148, %swap3A_149] {strides = array<i32>} : memref<16x6400xf32, #tpu.memory_space<vmem>>, vector<1x16xf32>,
      %swap3A_151 = vector.shape_cast %swap3A_150 : vector<1x16xf32> to vector<16xf32>
      %swap3A_152 = vector.shape_cast %get3A_121 : vector<16xf32> to vector<1x16xf32>
      tpu.vector_store %arg4[%swap3A_148, %swap3A_149], %swap3A_152 {strides = array<i32>} : memref<16x6400xf32, #tpu.memory_space<vmem>>, vector<1x16xf32>,
      %mul3A_153 = arith.constant 16 : i32
      %mul3A_154 = arith.muli %scan3A_115, %mul3A_153 : i32
      %swap3A_155 = arith.constant 5 : i32
      %swap3A_156 = arith.index_cast %swap3A_155 : i32 to index
      %swap3A_157 = arith.index_cast %mul3A_154 : i32 to index
      %swap3A_158 = tpu.vector_load %arg4[%swap3A_156, %swap3A_157] {strides = array<i32>} : memref<16x6400xf32, #tpu.memory_space<vmem>>, vector<1x16xf32>,
      %swap3A_159 = vector.shape_cast %swap3A_158 : vector<1x16xf32> to vector<16xf32>
      %swap3A_160 = vector.shape_cast %get3A_121 : vector<16xf32> to vector<1x16xf32>
      tpu.vector_store %arg4[%swap3A_156, %swap3A_157], %swap3A_160 {strides = array<i32>} : memref<16x6400xf32, #tpu.memory_space<vmem>>, vector<1x16xf32>,
      %mul3A_161 = arith.constant 16 : i32
      %mul3A_162 = arith.muli %scan3A_115, %mul3A_161 : i32
      %swap3A_163 = arith.constant 6 : i32
      %swap3A_164 = arith.index_cast %swap3A_163 : i32 to index
      %swap3A_165 = arith.index_cast %mul3A_162 : i32 to index
      %swap3A_166 = tpu.vector_load %arg4[%swap3A_164, %swap3A_165] {strides = array<i32>} : memref<16x6400xf32, #tpu.memory_space<vmem>>, vector<1x16xf32>,
      %swap3A_167 = vector.shape_cast %swap3A_166 : vector<1x16xf32> to vector<16xf32>
      %swap3A_168 = vector.shape_cast %get3A_121 : vector<16xf32> to vector<1x16xf32>
      tpu.vector_store %arg4[%swap3A_164, %swap3A_165], %swap3A_168 {strides = array<i32>} : memref<16x6400xf32, #tpu.memory_space<vmem>>, vector<1x16xf32>,
      %mul3A_169 = arith.constant 16 : i32
      %mul3A_170 = arith.muli %scan3A_115, %mul3A_169 : i32
      %swap3A_171 = arith.constant 7 : i32
      %swap3A_172 = arith.index_cast %swap3A_171 : i32 to index
      %swap3A_173 = arith.index_cast %mul3A_170 : i32 to index
      %swap3A_174 = tpu.vector_load %arg4[%swap3A_172, %swap3A_173] {strides = array<i32>} : memref<16x6400xf32, #tpu.memory_space<vmem>>, vector<1x16xf32>,
      %swap3A_175 = vector.shape_cast %swap3A_174 : vector<1x16xf32> to vector<16xf32>
      %swap3A_176 = vector.shape_cast %get3A_121 : vector<16xf32> to vector<1x16xf32>
      tpu.vector_store %arg4[%swap3A_172, %swap3A_173], %swap3A_176 {strides = array<i32>} : memref<16x6400xf32, #tpu.memory_space<vmem>>, vector<1x16xf32>,
      %mul3A_177 = arith.constant 16 : i32
      %mul3A_178 = arith.muli %scan3A_115, %mul3A_177 : i32
      %swap3A_179 = arith.constant 8 : i32
      %swap3A_180 = arith.index_cast %swap3A_179 : i32 to index
      %swap3A_181 = arith.index_cast %mul3A_178 : i32 to index
      %swap3A_182 = tpu.vector_load %arg4[%swap3A_180, %swap3A_181] {strides = array<i32>} : memref<16x6400xf32, #tpu.memory_space<vmem>>, vector<1x16xf32>,
      %swap3A_183 = vector.shape_cast %swap3A_182 : vector<1x16xf32> to vector<16xf32>
      %swap3A_184 = vector.shape_cast %get3A_121 : vector<16xf32> to vector<1x16xf32>
      tpu.vector_store %arg4[%swap3A_180, %swap3A_181], %swap3A_184 {strides = array<i32>} : memref<16x6400xf32, #tpu.memory_space<vmem>>, vector<1x16xf32>,
      %mul3A_185 = arith.constant 16 : i32
      %mul3A_186 = arith.muli %scan3A_115, %mul3A_185 : i32
      %swap3A_187 = arith.constant 9 : i32
      %swap3A_188 = arith.index_cast %swap3A_187 : i32 to index
      %swap3A_189 = arith.index_cast %mul3A_186 : i32 to index
      %swap3A_190 = tpu.vector_load %arg4[%swap3A_188, %swap3A_189] {strides = array<i32>} : memref<16x6400xf32, #tpu.memory_space<vmem>>, vector<1x16xf32>,
      %swap3A_191 = vector.shape_cast %swap3A_190 : vector<1x16xf32> to vector<16xf32>
      %swap3A_192 = vector.shape_cast %get3A_121 : vector<16xf32> to vector<1x16xf32>
      tpu.vector_store %arg4[%swap3A_188, %swap3A_189], %swap3A_192 {strides = array<i32>} : memref<16x6400xf32, #tpu.memory_space<vmem>>, vector<1x16xf32>,
      %mul3A_193 = arith.constant 16 : i32
      %mul3A_194 = arith.muli %scan3A_115, %mul3A_193 : i32
      %swap3A_195 = arith.constant 10 : i32
      %swap3A_196 = arith.index_cast %swap3A_195 : i32 to index
      %swap3A_197 = arith.index_cast %mul3A_194 : i32 to index
      %swap3A_198 = tpu.vector_load %arg4[%swap3A_196, %swap3A_197] {strides = array<i32>} : memref<16x6400xf32, #tpu.memory_space<vmem>>, vector<1x16xf32>,
      %swap3A_199 = vector.shape_cast %swap3A_198 : vector<1x16xf32> to vector<16xf32>
      %swap3A_200 = vector.shape_cast %get3A_121 : vector<16xf32> to vector<1x16xf32>
      tpu.vector_store %arg4[%swap3A_196, %swap3A_197], %swap3A_200 {strides = array<i32>} : memref<16x6400xf32, #tpu.memory_space<vmem>>, vector<1x16xf32>,
      %mul3A_201 = arith.constant 16 : i32
      %mul3A_202 = arith.muli %scan3A_115, %mul3A_201 : i32
      %swap3A_203 = arith.constant 11 : i32
      %swap3A_204 = arith.index_cast %swap3A_203 : i32 to index
      %swap3A_205 = arith.index_cast %mul3A_202 : i32 to index
      %swap3A_206 = tpu.vector_load %arg4[%swap3A_204, %swap3A_205] {strides = array<i32>} : memref<16x6400xf32, #tpu.memory_space<vmem>>, vector<1x16xf32>,
      %swap3A_207 = vector.shape_cast %swap3A_206 : vector<1x16xf32> to vector<16xf32>
      %swap3A_208 = vector.shape_cast %get3A_121 : vector<16xf32> to vector<1x16xf32>
      tpu.vector_store %arg4[%swap3A_204, %swap3A_205], %swap3A_208 {strides = array<i32>} : memref<16x6400xf32, #tpu.memory_space<vmem>>, vector<1x16xf32>,
      %mul3A_209 = arith.constant 16 : i32
      %mul3A_210 = arith.muli %scan3A_115, %mul3A_209 : i32
      %swap3A_211 = arith.constant 12 : i32
      %swap3A_212 = arith.index_cast %swap3A_211 : i32 to index
      %swap3A_213 = arith.index_cast %mul3A_210 : i32 to index
      %swap3A_214 = tpu.vector_load %arg4[%swap3A_212, %swap3A_213] {strides = array<i32>} : memref<16x6400xf32, #tpu.memory_space<vmem>>, vector<1x16xf32>,
      %swap3A_215 = vector.shape_cast %swap3A_214 : vector<1x16xf32> to vector<16xf32>
      %swap3A_216 = vector.shape_cast %get3A_121 : vector<16xf32> to vector<1x16xf32>
      tpu.vector_store %arg4[%swap3A_212, %swap3A_213], %swap3A_216 {strides = array<i32>} : memref<16x6400xf32, #tpu.memory_space<vmem>>, vector<1x16xf32>,
      %mul3A_217 = arith.constant 16 : i32
      %mul3A_218 = arith.muli %scan3A_115, %mul3A_217 : i32
      %swap3A_219 = arith.constant 13 : i32
      %swap3A_220 = arith.index_cast %swap3A_219 : i32 to index
      %swap3A_221 = arith.index_cast %mul3A_218 : i32 to index
      %swap3A_222 = tpu.vector_load %arg4[%swap3A_220, %swap3A_221] {strides = array<i32>} : memref<16x6400xf32, #tpu.memory_space<vmem>>, vector<1x16xf32>,
      %swap3A_223 = vector.shape_cast %swap3A_222 : vector<1x16xf32> to vector<16xf32>
      %swap3A_224 = vector.shape_cast %get3A_121 : vector<16xf32> to vector<1x16xf32>
      tpu.vector_store %arg4[%swap3A_220, %swap3A_221], %swap3A_224 {strides = array<i32>} : memref<16x6400xf32, #tpu.memory_space<vmem>>, vector<1x16xf32>,
      %mul3A_225 = arith.constant 16 : i32
      %mul3A_226 = arith.muli %scan3A_115, %mul3A_225 : i32
      %swap3A_227 = arith.constant 14 : i32
      %swap3A_228 = arith.index_cast %swap3A_227 : i32 to index
      %swap3A_229 = arith.index_cast %mul3A_226 : i32 to index
      %swap3A_230 = tpu.vector_load %arg4[%swap3A_228, %swap3A_229] {strides = array<i32>} : memref<16x6400xf32, #tpu.memory_space<vmem>>, vector<1x16xf32>,
      %swap3A_231 = vector.shape_cast %swap3A_230 : vector<1x16xf32> to vector<16xf32>
      %swap3A_232 = vector.shape_cast %get3A_121 : vector<16xf32> to vector<1x16xf32>
      tpu.vector_store %arg4[%swap3A_228, %swap3A_229], %swap3A_232 {strides = array<i32>} : memref<16x6400xf32, #tpu.memory_space<vmem>>, vector<1x16xf32>,
      %mul3A_233 = arith.constant 16 : i32
      %mul3A_234 = arith.muli %scan3A_115, %mul3A_233 : i32
      %swap3A_235 = arith.constant 15 : i32
      %swap3A_236 = arith.index_cast %swap3A_235 : i32 to index
      %swap3A_237 = arith.index_cast %mul3A_234 : i32 to index
      %swap3A_238 = tpu.vector_load %arg4[%swap3A_236, %swap3A_237] {strides = array<i32>} : memref<16x6400xf32, #tpu.memory_space<vmem>>, vector<1x16xf32>,
      %swap3A_239 = vector.shape_cast %swap3A_238 : vector<1x16xf32> to vector<16xf32>
      %swap3A_240 = vector.shape_cast %get3A_121 : vector<16xf32> to vector<1x16xf32>
      tpu.vector_store %arg4[%swap3A_236, %swap3A_237], %swap3A_240 {strides = array<i32>} : memref<16x6400xf32, #tpu.memory_space<vmem>>, vector<1x16xf32>,
    }
    %scan3A_18 = arith.constant 400 : i32
    %add3A_19 = arith.constant 0 : i32
    %add3A_20 = arith.addi %mul3A_2, %add3A_19 : i32
    %dma_start3A_21 = arith.constant 0 : i32
    %dma_start3A_22 = tpu.memref_slice %arg3[%add3A_20, %dma_start3A_21] : memref<4096x6400xf32, #tpu.memory_space<hbm>> -> memref<16x6400xf32, #tpu.memory_space<hbm>>
    %dma_start3A_23 = arith.constant 0 : i32
    %dma_start3A_24 = tpu.memref_slice %arg3[%add3A_20, %dma_start3A_23] : memref<4096x6400xf32, #tpu.memory_space<hbm>> -> memref<16x6400xf32, #tpu.memory_space<hbm>>
    tpu.enqueue_dma source(%arg4 : memref<16x6400xf32, #tpu.memory_space<vmem>>) target(%dma_start3A_24 : memref<16x6400xf32, #tpu.memory_space<hbm>>) target_semaphore(%arg5 : memref<!tpu.dma_semaphore, #tpu.memory_space<semaphore_mem>>)
    %add3A_25 = arith.constant 16 : i32
    %add3A_26 = arith.addi %mul3A_2, %add3A_25 : i32
    %dma_start3A_27 = arith.constant 0 : i32
    %dma_start3A_28 = tpu.memref_slice %arg3[%add3A_26, %dma_start3A_27] : memref<4096x6400xf32, #tpu.memory_space<hbm>> -> memref<16x6400xf32, #tpu.memory_space<hbm>>
    %dma_start3A_29 = arith.constant 0 : i32
    %dma_start3A_30 = tpu.memref_slice %arg3[%add3A_26, %dma_start3A_29] : memref<4096x6400xf32, #tpu.memory_space<hbm>> -> memref<16x6400xf32, #tpu.memory_space<hbm>>
    tpu.enqueue_dma source(%arg4 : memref<16x6400xf32, #tpu.memory_space<vmem>>) target(%dma_start3A_30 : memref<16x6400xf32, #tpu.memory_space<hbm>>) target_semaphore(%arg5 : memref<!tpu.dma_semaphore, #tpu.memory_space<semaphore_mem>>)
    %add3A_31 = arith.constant 32 : i32
    %add3A_32 = arith.addi %mul3A_2, %add3A_31 : i32
    %dma_start3A_33 = arith.constant 0 : i32
    %dma_start3A_34 = tpu.memref_slice %arg3[%add3A_32, %dma_start3A_33] : memref<4096x6400xf32, #tpu.memory_space<hbm>> -> memref<16x6400xf32, #tpu.memory_space<hbm>>
    %dma_start3A_35 = arith.constant 0 : i32
    %dma_start3A_36 = tpu.memref_slice %arg3[%add3A_32, %dma_start3A_35] : memref<4096x6400xf32, #tpu.memory_space<hbm>> -> memref<16x6400xf32, #tpu.memory_space<hbm>>
    tpu.enqueue_dma source(%arg4 : memref<16x6400xf32, #tpu.memory_space<vmem>>) target(%dma_start3A_36 : memref<16x6400xf32, #tpu.memory_space<hbm>>) target_semaphore(%arg5 : memref<!tpu.dma_semaphore, #tpu.memory_space<semaphore_mem>>)
    %add3A_37 = arith.constant 48 : i32
    %add3A_38 = arith.addi %mul3A_2, %add3A_37 : i32
    %dma_start3A_39 = arith.constant 0 : i32
    %dma_start3A_40 = tpu.memref_slice %arg3[%add3A_38, %dma_start3A_39] : memref<4096x6400xf32, #tpu.memory_space<hbm>> -> memref<16x6400xf32, #tpu.memory_space<hbm>>
    %dma_start3A_41 = arith.constant 0 : i32
    %dma_start3A_42 = tpu.memref_slice %arg3[%add3A_38, %dma_start3A_41] : memref<4096x6400xf32, #tpu.memory_space<hbm>> -> memref<16x6400xf32, #tpu.memory_space<hbm>>
    tpu.enqueue_dma source(%arg4 : memref<16x6400xf32, #tpu.memory_space<vmem>>) target(%dma_start3A_42 : memref<16x6400xf32, #tpu.memory_space<hbm>>) target_semaphore(%arg5 : memref<!tpu.dma_semaphore, #tpu.memory_space<semaphore_mem>>)
    %add3A_43 = arith.constant 64 : i32
    %add3A_44 = arith.addi %mul3A_2, %add3A_43 : i32
    %dma_start3A_45 = arith.constant 0 : i32
    %dma_start3A_46 = tpu.memref_slice %arg3[%add3A_44, %dma_start3A_45] : memref<4096x6400xf32, #tpu.memory_space<hbm>> -> memref<16x6400xf32, #tpu.memory_space<hbm>>
    %dma_start3A_47 = arith.constant 0 : i32
    %dma_start3A_48 = tpu.memref_slice %arg3[%add3A_44, %dma_start3A_47] : memref<4096x6400xf32, #tpu.memory_space<hbm>> -> memref<16x6400xf32, #tpu.memory_space<hbm>>
    tpu.enqueue_dma source(%arg4 : memref<16x6400xf32, #tpu.memory_space<vmem>>) target(%dma_start3A_48 : memref<16x6400xf32, #tpu.memory_space<hbm>>) target_semaphore(%arg5 : memref<!tpu.dma_semaphore, #tpu.memory_space<semaphore_mem>>)
    %add3A_49 = arith.constant 80 : i32
    %add3A_50 = arith.addi %mul3A_2, %add3A_49 : i32
    %dma_start3A_51 = arith.constant 0 : i32
    %dma_start3A_52 = tpu.memref_slice %arg3[%add3A_50, %dma_start3A_51] : memref<4096x6400xf32, #tpu.memory_space<hbm>> -> memref<16x6400xf32, #tpu.memory_space<hbm>>
    %dma_start3A_53 = arith.constant 0 : i32
    %dma_start3A_54 = tpu.memref_slice %arg3[%add3A_50, %dma_start3A_53] : memref<4096x6400xf32, #tpu.memory_space<hbm>> -> memref<16x6400xf32, #tpu.memory_space<hbm>>
    tpu.enqueue_dma source(%arg4 : memref<16x6400xf32, #tpu.memory_space<vmem>>) target(%dma_start3A_54 : memref<16x6400xf32, #tpu.memory_space<hbm>>) target_semaphore(%arg5 : memref<!tpu.dma_semaphore, #tpu.memory_space<semaphore_mem>>)
    %add3A_55 = arith.constant 96 : i32
    %add3A_56 = arith.addi %mul3A_2, %add3A_55 : i32
    %dma_start3A_57 = arith.constant 0 : i32
    %dma_start3A_58 = tpu.memref_slice %arg3[%add3A_56, %dma_start3A_57] : memref<4096x6400xf32, #tpu.memory_space<hbm>> -> memref<16x6400xf32, #tpu.memory_space<hbm>>
    %dma_start3A_59 = arith.constant 0 : i32
    %dma_start3A_60 = tpu.memref_slice %arg3[%add3A_56, %dma_start3A_59] : memref<4096x6400xf32, #tpu.memory_space<hbm>> -> memref<16x6400xf32, #tpu.memory_space<hbm>>
    tpu.enqueue_dma source(%arg4 : memref<16x6400xf32, #tpu.memory_space<vmem>>) target(%dma_start3A_60 : memref<16x6400xf32, #tpu.memory_space<hbm>>) target_semaphore(%arg5 : memref<!tpu.dma_semaphore, #tpu.memory_space<semaphore_mem>>)
    %add3A_61 = arith.constant 112 : i32
    %add3A_62 = arith.addi %mul3A_2, %add3A_61 : i32
    %dma_start3A_63 = arith.constant 0 : i32
    %dma_start3A_64 = tpu.memref_slice %arg3[%add3A_62, %dma_start3A_63] : memref<4096x6400xf32, #tpu.memory_space<hbm>> -> memref<16x6400xf32, #tpu.memory_space<hbm>>
    %dma_start3A_65 = arith.constant 0 : i32
    %dma_start3A_66 = tpu.memref_slice %arg3[%add3A_62, %dma_start3A_65] : memref<4096x6400xf32, #tpu.memory_space<hbm>> -> memref<16x6400xf32, #tpu.memory_space<hbm>>
    tpu.enqueue_dma source(%arg4 : memref<16x6400xf32, #tpu.memory_space<vmem>>) target(%dma_start3A_66 : memref<16x6400xf32, #tpu.memory_space<hbm>>) target_semaphore(%arg5 : memref<!tpu.dma_semaphore, #tpu.memory_space<semaphore_mem>>)
    %add3A_67 = arith.constant 0 : i32
    %add3A_68 = arith.addi %mul3A_2, %add3A_67 : i32
    %dma_wait3A_69 = arith.constant 0 : i32
    %dma_wait3A_70 = tpu.memref_slice %arg3[%add3A_68, %dma_wait3A_69] : memref<4096x6400xf32, #tpu.memory_space<hbm>> -> memref<16x6400xf32, #tpu.memory_space<hbm>>
    %dma_wait3A_71 = arith.constant 0 : i32
    %dma_wait3A_72 = tpu.memref_slice %arg3[%add3A_68, %dma_wait3A_71] : memref<4096x6400xf32, #tpu.memory_space<hbm>> -> memref<16x6400xf32, #tpu.memory_space<hbm>>
    tpu.wait_dma2 semaphore(%arg5 : memref<!tpu.dma_semaphore, #tpu.memory_space<semaphore_mem>>) src(%arg4 : memref<16x6400xf32, #tpu.memory_space<vmem>>) dst(%dma_wait3A_72 : memref<16x6400xf32, #tpu.memory_space<hbm>>)
    %add3A_73 = arith.constant 16 : i32
    %add3A_74 = arith.addi %mul3A_2, %add3A_73 : i32
    %dma_wait3A_75 = arith.constant 0 : i32
    %dma_wait3A_76 = tpu.memref_slice %arg3[%add3A_74, %dma_wait3A_75] : memref<4096x6400xf32, #tpu.memory_space<hbm>> -> memref<16x6400xf32, #tpu.memory_space<hbm>>
    %dma_wait3A_77 = arith.constant 0 : i32
    %dma_wait3A_78 = tpu.memref_slice %arg3[%add3A_74, %dma_wait3A_77] : memref<4096x6400xf32, #tpu.memory_space<hbm>> -> memref<16x6400xf32, #tpu.memory_space<hbm>>
    tpu.wait_dma2 semaphore(%arg5 : memref<!tpu.dma_semaphore, #tpu.memory_space<semaphore_mem>>) src(%arg4 : memref<16x6400xf32, #tpu.memory_space<vmem>>) dst(%dma_wait3A_78 : memref<16x6400xf32, #tpu.memory_space<hbm>>)
    %add3A_79 = arith.constant 32 : i32
    %add3A_80 = arith.addi %mul3A_2, %add3A_79 : i32
    %dma_wait3A_81 = arith.constant 0 : i32
    %dma_wait3A_82 = tpu.memref_slice %arg3[%add3A_80, %dma_wait3A_81] : memref<4096x6400xf32, #tpu.memory_space<hbm>> -> memref<16x6400xf32, #tpu.memory_space<hbm>>
    %dma_wait3A_83 = arith.constant 0 : i32
    %dma_wait3A_84 = tpu.memref_slice %arg3[%add3A_80, %dma_wait3A_83] : memref<4096x6400xf32, #tpu.memory_space<hbm>> -> memref<16x6400xf32, #tpu.memory_space<hbm>>
    tpu.wait_dma2 semaphore(%arg5 : memref<!tpu.dma_semaphore, #tpu.memory_space<semaphore_mem>>) src(%arg4 : memref<16x6400xf32, #tpu.memory_space<vmem>>) dst(%dma_wait3A_84 : memref<16x6400xf32, #tpu.memory_space<hbm>>)
    %add3A_85 = arith.constant 48 : i32
    %add3A_86 = arith.addi %mul3A_2, %add3A_85 : i32
    %dma_wait3A_87 = arith.constant 0 : i32
    %dma_wait3A_88 = tpu.memref_slice %arg3[%add3A_86, %dma_wait3A_87] : memref<4096x6400xf32, #tpu.memory_space<hbm>> -> memref<16x6400xf32, #tpu.memory_space<hbm>>
    %dma_wait3A_89 = arith.constant 0 : i32
    %dma_wait3A_90 = tpu.memref_slice %arg3[%add3A_86, %dma_wait3A_89] : memref<4096x6400xf32, #tpu.memory_space<hbm>> -> memref<16x6400xf32, #tpu.memory_space<hbm>>
    tpu.wait_dma2 semaphore(%arg5 : memref<!tpu.dma_semaphore, #tpu.memory_space<semaphore_mem>>) src(%arg4 : memref<16x6400xf32, #tpu.memory_space<vmem>>) dst(%dma_wait3A_90 : memref<16x6400xf32, #tpu.memory_space<hbm>>)
    %add3A_91 = arith.constant 64 : i32
    %add3A_92 = arith.addi %mul3A_2, %add3A_91 : i32
    %dma_wait3A_93 = arith.constant 0 : i32
    %dma_wait3A_94 = tpu.memref_slice %arg3[%add3A_92, %dma_wait3A_93] : memref<4096x6400xf32, #tpu.memory_space<hbm>> -> memref<16x6400xf32, #tpu.memory_space<hbm>>
    %dma_wait3A_95 = arith.constant 0 : i32
    %dma_wait3A_96 = tpu.memref_slice %arg3[%add3A_92, %dma_wait3A_95] : memref<4096x6400xf32, #tpu.memory_space<hbm>> -> memref<16x6400xf32, #tpu.memory_space<hbm>>
    tpu.wait_dma2 semaphore(%arg5 : memref<!tpu.dma_semaphore, #tpu.memory_space<semaphore_mem>>) src(%arg4 : memref<16x6400xf32, #tpu.memory_space<vmem>>) dst(%dma_wait3A_96 : memref<16x6400xf32, #tpu.memory_space<hbm>>)
    %add3A_97 = arith.constant 80 : i32
    %add3A_98 = arith.addi %mul3A_2, %add3A_97 : i32
    %dma_wait3A_99 = arith.constant 0 : i32
    %dma_wait3A_100 = tpu.memref_slice %arg3[%add3A_98, %dma_wait3A_99] : memref<4096x6400xf32, #tpu.memory_space<hbm>> -> memref<16x6400xf32, #tpu.memory_space<hbm>>
    %dma_wait3A_101 = arith.constant 0 : i32
    %dma_wait3A_102 = tpu.memref_slice %arg3[%add3A_98, %dma_wait3A_101] : memref<4096x6400xf32, #tpu.memory_space<hbm>> -> memref<16x6400xf32, #tpu.memory_space<hbm>>
    tpu.wait_dma2 semaphore(%arg5 : memref<!tpu.dma_semaphore, #tpu.memory_space<semaphore_mem>>) src(%arg4 : memref<16x6400xf32, #tpu.memory_space<vmem>>) dst(%dma_wait3A_102 : memref<16x6400xf32, #tpu.memory_space<hbm>>)
    %add3A_103 = arith.constant 96 : i32
    %add3A_104 = arith.addi %mul3A_2, %add3A_103 : i32
    %dma_wait3A_105 = arith.constant 0 : i32
    %dma_wait3A_106 = tpu.memref_slice %arg3[%add3A_104, %dma_wait3A_105] : memref<4096x6400xf32, #tpu.memory_space<hbm>> -> memref<16x6400xf32, #tpu.memory_space<hbm>>
    %dma_wait3A_107 = arith.constant 0 : i32
    %dma_wait3A_108 = tpu.memref_slice %arg3[%add3A_104, %dma_wait3A_107] : memref<4096x6400xf32, #tpu.memory_space<hbm>> -> memref<16x6400xf32, #tpu.memory_space<hbm>>
    tpu.wait_dma2 semaphore(%arg5 : memref<!tpu.dma_semaphore, #tpu.memory_space<semaphore_mem>>) src(%arg4 : memref<16x6400xf32, #tpu.memory_space<vmem>>) dst(%dma_wait3A_108 : memref<16x6400xf32, #tpu.memory_space<hbm>>)
    %add3A_109 = arith.constant 112 : i32
    %add3A_110 = arith.addi %mul3A_2, %add3A_109 : i32
    %dma_wait3A_111 = arith.constant 0 : i32
    %dma_wait3A_112 = tpu.memref_slice %arg3[%add3A_110, %dma_wait3A_111] : memref<4096x6400xf32, #tpu.memory_space<hbm>> -> memref<16x6400xf32, #tpu.memory_space<hbm>>
    %dma_wait3A_113 = arith.constant 0 : i32
    %dma_wait3A_114 = tpu.memref_slice %arg3[%add3A_110, %dma_wait3A_113] : memref<4096x6400xf32, #tpu.memory_space<hbm>> -> memref<16x6400xf32, #tpu.memory_space<hbm>>
    tpu.wait_dma2 semaphore(%arg5 : memref<!tpu.dma_semaphore, #tpu.memory_space<semaphore_mem>>) src(%arg4 : memref<16x6400xf32, #tpu.memory_space<vmem>>) dst(%dma_wait3A_114 : memref<16x6400xf32, #tpu.memory_space<hbm>>)
    return
  }
}

</mosaic_0001>

<sc_bundles>
// kernel: kernel.3.cloned.1.call-start
scs
__scs_entry_jumppad:
0x0: {  	(pc) =	sbr.rel $0x88, $3  }
0x1: {  	(tag) =	ssettag $0x0;
	lr =	simm.s32 $0x1  }
0x2: {  	[smem:$0x3FA0] =	sst lr;
	_ =	strace $0xD0000000  }
0x3: {  	_ = 	snop  }
0x4: {  	_ = 	snop  }
0x5: {  	_ = 	snop  }
0x6: {  	_ = 	snop  }
0x7: {  	_ = 	snop  }
__scs_overlays_trampoline_lowered:
0x8: {  	[smem:$0x3FAF] =	sst s0  }
0x9: {  	[smem:$0x3FB0] =	sst s1  }
0xa: {  	[smem:$0x3FB1] =	sst s2  }
0xb: {  	[smem:$0x3FB2] =	sst s3  }
0xc: {  	[smem:$0x3FB3] =	sst s4  }
0xd: {  	[smem:$0x3FB4] =	sst s5  }
0xe: {  	[smem:$0x3FB5] =	sst s6  }
0xf: {  	[smem:$0x3FB6] =	sst s7  }
0x10: {  	[smem:$0x3FB7] =	sst s8  }
0x11: {  	[smem:$0x3FB8] =	sst s9;
	s0 =	simm.s32 @!p0 $0x0  }
0x12: {  	s1 =	sld [smem:$0x3F9E];
	s0 =	simm.s32 @p0 $0x1  }
0x13: {  	[smem:$0x3FB9] =	sst s0;
	s0 =	simm.s32 @!p1 $0x0  }
0x14: {  	s2 =	sld [smem:$0x3F9D];
	s0 =	simm.s32 @p1 $0x1  }
0x15: {  	[smem:$0x3FBA] =	sst s0;
	s0 =	simm.s32 @!p2 $0x0  }
0x16: {  	s3 =	sld [smem:$0x3FDB];
	s0 =	simm.s32 @p2 $0x1  }
0x17: {  	s4 =	simm.s32 $0x1BF5;
	[smem:$0x3FBC] =	sst s0  }
0x18: {  	s0 =	sld [smem:$0x3F9F];
	_ =	swait.ge [sflag:s4], $0x0  }
0x19: {  	s7 =	sld [smem:$0x3FA0]  }
0x1a: {  	s8 =	sadd.s32 $0xFFFFE003, lr  }
0x1b: {  	s9 =	sadd.s32 $0xFFFFFEF7, lr;
	s5 =	simm.s32 $0xFFFFFFFF;
	p2 =	slt.u32 s8, $0xFFFFF086  }
0x1c: {  	p1 =	slt.u32 s9, $0xF7A;
	s5 =	simm.s32 @!p2 $0x0  }
0x1d: {  	s5 =	simm.s32 @p1 $0x1;
	p0 =	seq.s32 s7, s2  }
0x1e: {  	s7 =	smul.u32 @!p0 $0xF7A, s2;
	p2 =	seq.s32 @!p0 s5, $0x0  }
0x1f: {  	s9 =	smul.u32 $0xF7A, s1;
	s8 =	simm.s32 @!p0 $0x1BF5;
	p2 =	por !p2, p0  }
0x20: {  	[sflag:s8] =	ssyncset.s32 @!p0 $0xFFFFF086;
	s6 =	sadd.s32 @!p0 s3, s7;
	s7 =	simm.s32 @!p0 $0x108  }
0x21: {  	s3 =	sadd.s32 s3, s9;
	s6 =	sadd.s32 @!p0 $0x88, s6;
	s7 =	simm.s32 @p2 $0x1082  }
0x22: {  	[simem:s7], [sflag:s8] =	dma.local @!p0 [hbm:s6], $0xF7A  }
0x23: {  	s9 =	sor.u32 $0xD0000000, s2;
	s6 =	simm.s32 $0x108;
	_ =	swait.ge @!p0 [sflag:s8], $0x0  }
0x24: {  	s3 =	sadd.s32 $0x88, s3;
	s6 =	simm.s32 @!p1 $0x1082;
	[sflag:s4] =	ssyncset.s32 $0xFFFFF086  }
0x25: {  	[simem:s6], [sflag:s4] =	dma.local [hbm:s3], $0xF7A  }
0x26: {  	[smem:$0x3FA0] =	sst s1;
	(tag) =	ssettag s2;
	_ =	strace s9  }
0x27: {  	s1 =	sld [smem:$0x3FB0]  }
0x28: {  	s2 =	sld [smem:$0x3FB1]  }
0x29: {  	s4 =	sld [smem:$0x3FB3]  }
0x2a: {  	p0 =	seq.s32 s5, $0x0;
	s5 =	sld [smem:$0x3FB4]  }
0x2b: {  	s6 =	sld [smem:$0x3FB5]  }
0x2c: {  	s7 =	sld [smem:$0x3FB6]  }
0x2d: {  	s3 =	simm.s32 $0x108;
	s8 =	sld [smem:$0x3FB7]  }
0x2e: {  	s3 =	simm.s32 @!p0 $0x1082;
	s9 =	sld [smem:$0x3FB8]  }
0x2f: {  	lr =	sadd.s32 s0, s3;
	s0 =	sld [smem:$0x3FAF]  }
0x30: {  	s3 =	sld [smem:$0x3FB2]  }
0x31: {  	[smem:$0x3FBB] =	sst s10  }
0x32: {  	s10 =	sld [smem:$0x3FB9];
	_ =	sdelay $0x3  }
0x33: {  	p0 =	seq.s32 s10, $0x1;
	s10 =	sld [smem:$0x3FBB];
	_ =	sdelay $0x3  }
0x34: {  	[smem:$0x3FBB] =	sst s10  }
0x35: {  	s10 =	sld [smem:$0x3FBA];
	_ =	sdelay $0x3  }
0x36: {  	p1 =	seq.s32 s10, $0x1;
	s10 =	sld [smem:$0x3FBB];
	_ =	sdelay $0x3  }
0x37: {  	[smem:$0x3FBB] =	sst s10  }
0x38: {  	s10 =	sld [smem:$0x3FBC]  }
0x39: {  	_ = 	snop;
	(pc) =	sbr.ind lr, $3  }
0x3a: {  	_ = 	snop  }
0x3b: {  	_ = 	snop  }
0x3c: {  	p2 =	seq.s32 s10, $0x1;
	s10 =	sld [smem:$0x3FBB]  }
0x3d: {  	_ =	shalt  }
0x3e: {  	_ =	shalt  }
0x3f: {  	_ =	shalt  }
0x40: {  	_ =	shalt  }
0x41: {  	_ =	shalt  }
0x42: {  	_ =	shalt  }
0x43: {  	_ =	shalt  }
0x44: {  	_ =	shalt  }
0x45: {  	_ =	shalt  }
0x46: {  	_ =	shalt  }
0x47: {  	_ =	shalt  }
0x48: {  	_ =	shalt  }
0x49: {  	_ =	shalt  }
0x4a: {  	_ =	shalt  }
0x4b: {  	_ =	shalt  }
0x4c: {  	_ =	shalt  }
0x4d: {  	_ =	shalt  }
0x4e: {  	_ =	shalt  }
0x4f: {  	_ =	shalt  }
0x50: {  	_ =	shalt  }
0x51: {  	_ =	shalt  }
0x52: {  	_ =	shalt  }
0x53: {  	_ =	shalt  }
0x54: {  	_ =	shalt  }
0x55: {  	_ =	shalt  }
0x56: {  	_ =	shalt  }
0x57: {  	_ =	shalt  }
0x58: {  	_ =	shalt  }
0x59: {  	_ =	shalt  }
0x5a: {  	_ =	shalt  }
0x5b: {  	_ =	shalt  }
0x5c: {  	_ =	shalt  }
0x5d: {  	_ =	shalt  }
0x5e: {  	_ =	shalt  }
0x5f: {  	_ =	shalt  }
0x60: {  	_ =	shalt  }
0x61: {  	_ =	shalt  }
0x62: {  	_ =	shalt  }
0x63: {  	_ =	shalt  }
0x64: {  	_ =	shalt  }
0x65: {  	_ =	shalt  }
0x66: {  	_ =	shalt  }
0x67: {  	_ =	shalt  }
0x68: {  	_ =	shalt  }
0x69: {  	_ =	shalt  }
0x6a: {  	_ =	shalt  }
0x6b: {  	_ =	shalt  }
0x6c: {  	_ =	shalt  }
0x6d: {  	_ =	shalt  }
0x6e: {  	_ =	shalt  }
0x6f: {  	_ =	shalt  }
0x70: {  	_ =	shalt  }
0x71: {  	_ =	shalt  }
0x72: {  	_ =	shalt  }
0x73: {  	_ =	shalt  }
0x74: {  	_ =	shalt  }
0x75: {  	_ =	shalt  }
0x76: {  	_ =	shalt  }
0x77: {  	_ =	shalt  }
0x78: {  	_ =	shalt  }
0x79: {  	_ =	shalt  }
0x7a: {  	_ =	shalt  }
0x7b: {  	_ =	shalt  }
0x7c: {  	_ =	shalt  }
0x7d: {  	_ =	shalt  }
0x7e: {  	_ =	shalt  }
0x7f: {  	_ =	shalt  }
0x80: {  	_ =	shalt  }
0x81: {  	_ =	shalt  }
0x82: {  	_ =	shalt  }
0x83: {  	_ =	shalt  }
0x84: {  	_ =	shalt  }
0x85: {  	_ =	shalt  }
0x86: {  	_ =	shalt  }
0x87: {  	_ =	shalt  }
.Lfunc_end0:
.L_simem_size_0:
called_computation_lowered:
.L_overlay_start_0:
0x88: {  	s2 =	sld [smem:$0x3FD9]  }
0x89: {  	s3 =	sld [smem:$0x3FFE];
	_ =	sdelay $0x1  }
0x8a: {  	s1 =	srdreg.scid  }
0x8b: {  	s0 =	sand.u32 $0x1, s1  }
0x8c: {  	s17 =	sshll.u32 s0, $0xA;
	s2 =	sadd.s32 s3, s2  }
0x8d: {  	s2 =	sadd.s32 s2, s17  }
0x8e: {  	[smem:$0x3FC7] =	sst s2  }
0x8f: {  	_ = 	snop  }
0x90: {  	s2 =	sld [smem:$0x3FD0];
	(tm) =	ssettm $0x1  }
0x91: {  	s18 =	sld [smem:$0x3FFB];
	_ =	sdelay $0x3  }
0x92: {  	_ =	strace s18  }
0x93: {  	s3 =	sld [smem:$0x3FFC];
	_ =	sdelay $0x3  }
0x94: {  	_ =	strace s3  }
0x95: {  	s3 =	sld [smem:$0x3FFD];
	_ =	sdelay $0x3  }
0x96: {  	_ =	strace s3  }
0x97: {  	_ =	strace $0x8FFFFFFF  }
0x98: {  	s19 =	sld [smem:$0x3FDB];
	_ =	sdelay $0x1  }
0x99: {  	s4 =	simm.s32 $_scs_section_size  }
0x9a: {  	s5 =	simm.s32 $_size__tile_overlayer_lowered;
	s6 =	simm.s32 $_tile_overlayer_lowered  }
0x9b: {  	s22 =	simm.s32 $0x1BFF;
	s21 =	sshll.u32 s6, $0x1;
	s3 =	sadd.s32 s4, s19  }
0x9c: {  	s7 =	simm.s32 $0x0;
	s20 =	sshll.u32 s5, $0x1;
	s5 =	sadd.s32 s21, s3  }
0x9d: {  	[timem:s7], [sflag:s22] =	dma.local [hbm:s5], s20  }
0x9e: {  	_ =	swait.ge [sflag:s22], s20  }
0x9f: {  	s4 =	ssub.s32 $0x0, s20;
	[sflag:s22] =	ssyncset.done $0x0  }
0xa0: {  	[sflag:s22] =	ssyncadd.s32 s4;
	_ =	sdelay $0x1  }
0xa1: {  	s23 =	simm.s32 $0x1B8B  }
0xa2: {  	_ =	swait.ge [sflag:s23], $0x1  }
0xa3: {  	[sflag:s23] =	ssyncset.done $0x0  }
0xa4: {  	s25 =	simm.s32 $0x1B8E;
	s24 =	sld [smem:$0x3FFE];
	[sflag:s23] =	ssyncadd.s32 $0xFFFFFFFF  }
0xa5: {  	s26 =	simm.s32 $execute0_lowered;
	[smem:$0x3FD2] =	sst s25  }
0xa6: {  	s5 =	sshll.u32 s26, $0x1;
	_ =	strace $0x80000046;
	[dreg:$0x1] =	wrdreg $0xFFFFFFFF  }
0xa7: {  	s28 =	simm.s32 $_size_execute0_lowered;
	s3 =	sadd.s32 s3, s5;
	[dreg:$0x0] =	wrdreg $0x0  }
0xa8: {  	s5 =	sshll.u32 s28, $0x1;
	[dreg:$0x2] =	wrdreg s3  }
0xa9: {  	[dreg:$0x3] =	wrdreg s5  }
0xaa: {  	[dreg:$0x4] =	wrdreg $0xC0  }
0xab: {  	_ =	task [dreg:s7], $0x5FFFF  }
0xac: {  	[dreg:$0x1] =	wrdreg $0xFFFFFFFF  }
0xad: {  	[dreg:$0x0] =	wrdreg $0x60  }
0xae: {  	[dreg:$0x2] =	wrdreg s2  }
0xaf: {  	[dreg:$0x3] =	wrdreg s24  }
0xb0: {  	[dreg:$0x4] =	wrdreg $0x9  }
0xb1: {  	_ =	task.clear_ibuf [dreg:s7], $0x5FFFF;
	_ =	strace $0x90000046  }
0xb2: {  	s29 =	simm.s32 $0x9;
	_ =	strace $0x80000048  }
0xb3: {  	_ =	swait.ge [sflag:s29], $0x1  }
0xb4: {  	[sflag:s29] =	ssyncadd.s32 $0xFFFFFFFF  }
0xb5: {  	_ =	strace $0x90000048  }
0xb6: {  	_ =	sfence  }
0xb7: {  	s30 =	sld [smem:$0x0];
	_ =	sdelay $0x2  }
0xb8: {  	s31 =	sshll.u32 s1, $0xD;
	s1 =	sshrl.u32 s1, $0x2  }
0xb9: {  	s3 =	sand.u32 $0x4000, s31;
	s1 =	sadd.s32 s1, s30  }
0xba: {  	s0 =	sor.u32 s3, s0;
	s1 =	sshll.u32 s1, $0x11  }
0xbb: {  	s0 =	sor.u32 s1, s0  }
0xbc: {  	s0 =	sadd.s32 $0x8F2B, s0  }
0xbd: {  	[sflag:s0] =	ssyncadd.remote.s32 $0x1  }
0xbe: {  	_ =	sfence.sel $0xFFFF  }
0xbf: {  	[dreg:$0x0] =	wrdreg $0xFFFFFFFF;
	(pc) =	sbr.abs _section_cstart, $3  }
0xc0: {  	[dreg:$0x1] =	wrdreg $0xFFFFFFFF  }
0xc1: {  	_ =	task.clear_ibuf [dreg:s7], $0x2FFFF;
	_ =	strace $0x9FFFFFFF  }
0xc2: {  	(tm) =	ssettm $0x7FFFFFFF  }
0xc3: {  	_ =	shalt  }
tec
execute0_lowered:
.L_overlay_start_1:
0x0: {  	(tag) =	ssettag $0x1  }
0x1: {  	s1 =	srdreg.scid  }
0x2: {  	s0 =	stileid.u32;
	s2 =	rddreg [dreg:$0x0];
	s4 =	sand.u32 $0x1, s1  }
0x3: {  	s5 =	rddreg [dreg:$0x1];
	s31 =	sshll.u32 s0, $0x5;
	s3 =	sshll.u32 s4, $0x4  }
0x4: {  	s13 =	simm.s32 $0x1;
	s14 =	simm.s32 $0x0;
	s6 =	sor.u32 s3, s31  }
0x5: {  	s1 =	rddreg [dreg:$0x2];
	s4 =	ssub.s32 $0x2, s4;
	s7 =	smul.u32 $0xC800, s6  }
0x6: {  	s5 =	sadd.s32 $0x400, s5;
	s3 =	simm.s32 $0x0;
	s8 =	sshrl.u32 s4, $0x1  }
0x7: {  	[smem:$0x7FF] =	sst s3;
	s6 =	smul.u32 $0x1900, s6;
	s7 =	sshrl.u32 s7, $0x3  }
0x8: {  	s12 =	ssub.s32 s4, s8;
	_ =	strace $0x80000047;
	s11 =	sadd.s32 s5, s7  }
0x9: {  	s12 =	smax.u32 s12, $0x1;
	s4 =	sadd.s32 s5, s6;
	s5 =	sadd.s32 $0x3200, s11  }
0xa: {  	s6 =	sadd.s32 $0x6400, s11;
	s7 =	sadd.s32 $0x9600, s11;
	s8 =	sadd.s32 $0xC800, s11  }
0xb: {  	s9 =	sadd.s32 $0xFA00, s11;
	s10 =	sadd.s32 $0x12C00, s11;
	s11 =	sadd.s32 $0x15E00, s11  }
.LBB2_1:
0xc: {  	s15 =	simm.s32 $0x10  }
0xd: {  	s18 =	sadd.s32 $0x0, s2;
	s16 =	simm.s32 $0x400;
	s17 =	simm.s32 $0x0  }
.LBB2_2:
0xe: {  	[tilespmem:s17], [sflag:$0x1] =	stream.linear.gather [hbm4b:s18+s3], $0x80, $0x38;
	[tilespmem:$0x19000] =	vst v63  }
0xf: {  	s18 =	smov.u32 s15;
	s17 =	smov.u32 s16;
	p0 =	sne.s32 s15, $0x310  }
.Ltmp0:
0x10: {  	s15 =	sadd.s32 $0x10, s15;
	(pc) =	sbr.rel @p0 .LBB2_2-.Ltmp0, $2  }
0x11: {  	_ =	sdelay $0x2  }
0x12: {  	s16 =	sadd.s32 $0x400, s16;
	s18 =	sadd.s32 s18, s2  }
0x13: {  	[tilespmem:s17], [sflag:$0x1] =	stream.linear.gather [hbm4b:s18+s3], $0x80, $0x38;
	[tilespmem:$0x19000] =	vst v63  }
0x14: {  	s15 =	simm.s32 $0x0;
	_ =	swait.ge [sflag:s13], $0x1900  }
0x15: {  	s16 =	sand.u32 $0x70, s15;
	s28 =	sand.u32 $0xFC00, s15;
	[sflag:s13] =	ssyncset.done $0x0  }
0x16: {  	s19 =	sor.u32 s16, s28;
	[sflag:s13] =	ssyncadd.s32 $0xFFFFE700  }
0x17: {  	v1 =	vld [tilespmem:s19+$0x0];
	_ =	sdelay $0x4  }
0x18: {  	[tilespmem:s19+$0x80] =	vst v1  }
0x19: {  	[tilespmem:s19+$0x100] =	vst v1  }
0x1a: {  	s29 =	sand.u32 $0x7, s15;
	[tilespmem:s19+$0x180] =	vst v1  }
0x1b: {  	s16 =	sshll.u32 s29, $0x4;
	[tilespmem:s19+$0x200] =	vst v1  }
0x1c: {  	s16 =	sadd.s32 $0x0, s16;
	[tilespmem:s19+$0x280] =	vst v1  }
0x1d: {  	s16 =	sor.u32 $0x380, s16;
	[tilespmem:s19+$0x300] =	vst v1  }
0x1e: {  	[tilespmem:s16+$0x0] =	vst v1  }
0x1f: {  	s30 =	simm.s32 $0x10;
	s17 =	simm.s32 $0x80;
	[tilespmem:s19+$0xC800] =	vst v1  }
0x20: {  	s31 =	sand.u32 $0xFC00, s17;
	s16 =	sand.u32 $0x70, s30;
	[tilespmem:s19+$0xC880] =	vst v1  }
0x21: {  	s16 =	sor.u32 s16, s31;
	[tilespmem:s19+$0xC900] =	vst v1  }
0x22: {  	v0 =	vld [tilespmem:s16+$0x0];
	[tilespmem:s19+$0xC980] =	vst v1  }
0x23: {  	[tilespmem:s19+$0xCA00] =	vst v1  }
0x24: {  	[tilespmem:s19+$0xCA80] =	vst v1  }
0x25: {  	[tilespmem:s19+$0xCB00] =	vst v1  }
0x26: {  	s18 =	simm.s32 $0x20;
	[tilespmem:s19+$0xCB80] =	vst v1  }
.LBB2_4:
0x27: {  	p0 =	sne.s32 s18, $0x18F0;
	[tilespmem:s16+$0x80] =	vst v0;
	v1 =	vmov v0  }
0x28: {  	s15 =	sadd.s32 $0x1, s15;
	[tilespmem:s16+$0x100] =	vst v1  }
0x29: {  	s19 =	sand.u32 $0x7, s15;
	[tilespmem:s16+$0x180] =	vst v1  }
0x2a: {  	s19 =	sshll.u32 s19, $0x4;
	[tilespmem:s16+$0x200] =	vst v1  }
0x2b: {  	s19 =	sadd.s32 s19, s17;
	[tilespmem:s16+$0x280] =	vst v1  }
0x2c: {  	s19 =	sor.u32 $0x380, s19;
	[tilespmem:s16+$0x300] =	vst v1  }
0x2d: {  	[tilespmem:s19+$0x0] =	vst v1  }
0x2e: {  	s17 =	sadd.s32 $0x80, s17;
	[tilespmem:s16+$0xC800] =	vst v1  }
0x2f: {  	s20 =	sand.u32 $0xFC00, s17;
	s19 =	sand.u32 $0x70, s18;
	[tilespmem:s16+$0xC880] =	vst v1  }
0x30: {  	s19 =	sor.u32 s19, s20;
	[tilespmem:s16+$0xC900] =	vst v1  }
.Ltmp1:
0x31: {  	v0 =	vld [tilespmem:s19+$0x0];
	[tilespmem:s16+$0xC980] =	vst v1;
	(pc) =	sbr.rel @p0 .LBB2_4-.Ltmp1, $4  }
0x32: {  	[tilespmem:s16+$0xCA00] =	vst v1  }
0x33: {  	[tilespmem:s16+$0xCA80] =	vst v1  }
0x34: {  	[tilespmem:s16+$0xCB00] =	vst v1  }
0x35: {  	s18 =	sadd.s32 $0x10, s18;
	[tilespmem:s16+$0xCB80] =	vst v1;
	s16 =	smov.u32 s19  }
0x36: {  	[tilespmem:s16+$0x80] =	vst v0  }
0x37: {  	[tilespmem:s16+$0x100] =	vst v0;
	s15 =	sadd.s32 $0x1, s15  }
0x38: {  	[tilespmem:s16+$0x180] =	vst v0;
	s15 =	sand.u32 $0x7, s15  }
0x39: {  	[tilespmem:s16+$0x200] =	vst v0;
	s15 =	sshll.u32 s15, $0x4  }
0x3a: {  	[tilespmem:s16+$0x280] =	vst v0;
	s15 =	sadd.s32 s15, s17  }
0x3b: {  	[tilespmem:s16+$0x300] =	vst v0;
	s15 =	sor.u32 $0x380, s15  }
0x3c: {  	[tilespmem:s15+$0x0] =	vst v0  }
0x3d: {  	[tilespmem:s16+$0xC800] =	vst v0  }
0x3e: {  	[tilespmem:s16+$0xC880] =	vst v0  }
0x3f: {  	[tilespmem:s16+$0xC900] =	vst v0  }
0x40: {  	[tilespmem:s16+$0xC980] =	vst v0  }
0x41: {  	[tilespmem:s16+$0xCA00] =	vst v0  }
0x42: {  	[tilespmem:s16+$0xCA80] =	vst v0  }
0x43: {  	[tilespmem:s16+$0xCB00] =	vst v0  }
0x44: {  	[tilespmem:s16+$0xCB80] =	vst v0  }
0x45: {  	[hbm4b:s4+s3] =	stream.linear.scatter [tilespmem:s3], [sflag:$0x1], $0x19000, $0x38;
	[tilespmem:$0x19000] =	vst v63  }
0x46: {  	_ = 	snop  }
0x47: {  	[hbm4b:s5+s3] =	stream.linear.scatter [tilespmem:s3], [sflag:$0x1], $0x19000, $0x38;
	[tilespmem:$0x19000] =	vst v63  }
0x48: {  	_ = 	snop  }
0x49: {  	[hbm4b:s6+s3] =	stream.linear.scatter [tilespmem:s3], [sflag:$0x1], $0x19000, $0x38;
	[tilespmem:$0x19000] =	vst v63  }
0x4a: {  	_ = 	snop  }
0x4b: {  	[hbm4b:s7+s3] =	stream.linear.scatter [tilespmem:s3], [sflag:$0x1], $0x19000, $0x38;
	[tilespmem:$0x19000] =	vst v63  }
0x4c: {  	_ = 	snop  }
0x4d: {  	[hbm4b:s8+s3] =	stream.linear.scatter [tilespmem:s3], [sflag:$0x1], $0x19000, $0x38;
	[tilespmem:$0x19000] =	vst v63  }
0x4e: {  	_ = 	snop  }
0x4f: {  	[hbm4b:s9+s3] =	stream.linear.scatter [tilespmem:s3], [sflag:$0x1], $0x19000, $0x38;
	[tilespmem:$0x19000] =	vst v63  }
0x50: {  	_ = 	snop  }
0x51: {  	[hbm4b:s10+s3] =	stream.linear.scatter [tilespmem:s3], [sflag:$0x1], $0x19000, $0x38;
	[tilespmem:$0x19000] =	vst v63  }
0x52: {  	_ = 	snop  }
0x53: {  	[hbm4b:s11+s3] =	stream.linear.scatter [tilespmem:s3], [sflag:$0x1], $0x19000, $0x38;
	[tilespmem:$0x19000] =	vst v63  }
0x54: {  	_ =	swait.ge [sflag:s13], $0x19000  }
0x55: {  	[sflag:s13] =	ssyncset.done $0x0  }
0x56: {  	[sflag:s13] =	ssyncadd.s32 $0xFFFE7000  }
0x57: {  	_ =	swait.ge [sflag:s13], $0x19000  }
0x58: {  	[sflag:s13] =	ssyncset.done $0x0  }
0x59: {  	[sflag:s13] =	ssyncadd.s32 $0xFFFE7000  }
0x5a: {  	_ =	swait.ge [sflag:s13], $0x19000  }
0x5b: {  	[sflag:s13] =	ssyncset.done $0x0  }
0x5c: {  	[sflag:s13] =	ssyncadd.s32 $0xFFFE7000  }
0x5d: {  	_ =	swait.ge [sflag:s13], $0x19000  }
0x5e: {  	[sflag:s13] =	ssyncset.done $0x0  }
0x5f: {  	[sflag:s13] =	ssyncadd.s32 $0xFFFE7000  }
0x60: {  	_ =	swait.ge [sflag:s13], $0x19000  }
0x61: {  	[sflag:s13] =	ssyncset.done $0x0  }
0x62: {  	[sflag:s13] =	ssyncadd.s32 $0xFFFE7000  }
0x63: {  	_ =	swait.ge [sflag:s13], $0x19000  }
0x64: {  	[sflag:s13] =	ssyncset.done $0x0  }
0x65: {  	s14 =	sadd.s32 $0x1, s14;
	[sflag:s13] =	ssyncadd.s32 $0xFFFE7000  }
0x66: {  	p0 =	sne.s32 s14, s12;
	_ =	swait.ge [sflag:s13], $0x19000  }
.Ltmp2:
0x67: {  	[sflag:s13] =	ssyncset.done $0x0;
	(pc) =	sbr.rel @p0 .LBB2_1-.Ltmp2, $4  }
0x68: {  	[sflag:s13] =	ssyncadd.s32 $0xFFFE7000  }
0x69: {  	_ =	swait.ge [sflag:s13], $0x19000  }
0x6a: {  	[sflag:s13] =	ssyncset.done $0x0  }
0x6b: {  	[sflag:s13] =	ssyncadd.s32 $0xFFFE7000  }
0x6c: {  	_ =	sfence.sel $0x180000  }
0x6d: {  	[bflag:$0x0] =	sbarrier.arrive $0xFFFF  }
0x6e: {  	p0 =	sne.s32 s0, $0x0;
	_ =	strace $0x90000047  }
0x6f: {  	s0 =	sadd.s32 @!p0 $0x100000, s1;
	[bflag:$0x2] =	sbarrier.arrive $0xFFFF  }
0x70: {  	[sflag:s0] =	ssyncadd.tile.s32 @!p0 $0x1;
	_ =	shalt  }
.Lfunc_end2:
_tile_overlayer_lowered:
.L_overlay_start_2:
0x71: {  	(tag) =	ssettag $0x2  }
0x72: {  	s0 =	rddreg [dreg:$0x0];
	s2 =	stileid.u32  }
0x73: {  	s1 =	rddreg [dreg:$0x1];
	p0 =	sne.s32 s2, $0x0  }
0x74: {  	s3 =	rddreg [dreg:$0x2];
	[bflag:$0x3] =	sbarrier.arrive $0xFFFF;
	s2 =	simm.s32 @!p0 $0x1C02  }
0x75: {  	[timem:s3], [sflag:s2] =	dma.local @!p0 [hbm:s0], s1  }
0x76: {  	s0 =	simm.s32 @!p0 $0x2  }
0x77: {  	_ =	swait.ge @!p0 [sflag:s0], s1  }
0x78: {  	s1 =	ssub.s32 @!p0 $0x0, s1;
	[sflag:s0] =	ssyncset.done @!p0 $0x0  }
0x79: {  	[sflag:s0] =	ssyncadd.s32 @!p0 s1  }
0x7a: {  	[bflag:$0x3] =	sbarrier.arrive $0xFFFF  }
0x7b: {  	_ =	shalt  }

</sc_bundles>
